<compile_context>
chip_gen: v7x
topology: tpu7x:2x2x1
jax: 0.10.2.dev20260603
libtpu: 0.0.44.dev20260713+nightly
codegen_flags: <defaults>
</compile_context>

<pallas_src>
import jax
import jax.numpy as jnp
from jax import lax
from jax.experimental import pallas as pl
from jax.experimental.pallas import tpu as pltpu
from jax.experimental.pallas import tpu_sc as plsc

T = 3
T1 = 4
N = 10000
D = 128
NP = 10240
NC, NS, LANES = 2, 16, 16
NW = NC * NS
E = 320000
CHUNK = 128
NBUF = 2
EP01 = NW * CHUNK * 160
EP2 = NW * CHUNK * 88
PAD01 = EP01 - 2 * E - NP
PAD2 = EP2 - E - NP
NCH_T = (160, 160, 88)
GROUPS_T = ((40, 40, 40, 40), (40, 40, 40, 40), (40, 40, 8))
GRP_MAX = 40
ROWS_PER_TILE = NP // NS
BR = 1024
NB = NP // BR
DCHUNK = 128
DEP01 = 655360
DPAD01 = DEP01 - 2 * E - NP
DEGC = T * DEP01 // (NW * DCHUNK)
DEGG = 6


def _mesh():
  return plsc.VectorSubcoreMesh(
      core_axis_name="c", subcore_axis_name="s",
      num_cores=NC, num_subcores=NS)


def _deg_body(dst_hbm, out_hbm, idx_v, ones_v, zer_v, acc_sh, dsem):
  cid = lax.axis_index("c")
  sid = lax.axis_index("s")
  wid = cid * NS + sid
  zslice = (T * NP) // NS

  for j in range(DCHUNK // LANES):
    ones_v[pl.ds(j * LANES, LANES)] = jnp.full((LANES,), 1.0, jnp.float32)

  def zbody(j, c):
    zer_v[pl.ds(j * LANES, LANES)] = jnp.zeros((LANES,), jnp.float32)
    return c
  lax.fori_loop(0, zslice // LANES, zbody, 0)

  for t in range(T):
    pltpu.sync_copy(dst_hbm.at[t, wid],
                    idx_v.at[pl.ds(t * (DEGC // T), DEGC // T)])
  pltpu.sync_copy(zer_v, acc_sh.at[pl.ds(sid * zslice, zslice)])
  plsc.subcore_barrier()

  def gbody(g, c):
    for u in range(DEGG):
      pltpu.async_copy(ones_v, acc_sh.at[idx_v.at[g * DEGG + u]], dsem,
                       add=True)
    for _ in range(DEGG):
      pltpu.make_async_copy(ones_v, acc_sh.at[idx_v.at[0]], dsem).wait()
    return c
  lax.fori_loop(0, DEGC // DEGG, gbody, 0)
  plsc.subcore_barrier()

  pltpu.sync_copy(acc_sh.at[pl.ds(sid * zslice, zslice)],
                  out_hbm.at[cid, pl.ds(sid * zslice, zslice)])


def _gs_body(table_hbm, src0_hbm, src1_hbm, src2_hbm,
             dst0_hbm, dst1_hbm, dst2_hbm, out_hbm,
             src_v, dst_v, bufs, acc_sh, gsem, ssem):
  cid = lax.axis_index("c")
  sid = lax.axis_index("s")
  wid = cid * NS + sid
  row0 = sid * ROWS_PER_TILE

  def start_gather(c, b):
    pltpu.async_copy(table_hbm.at[src_v.at[c]], bufs.at[b], gsem)

  def wait_gather():
    pltpu.make_async_copy(table_hbm.at[src_v.at[0]], bufs.at[0], gsem).wait()

  def start_scatter(c, b):
    pltpu.async_copy(bufs.at[b], acc_sh.at[dst_v.at[c]], ssem, add=True)

  def wait_scatter():
    pltpu.make_async_copy(bufs.at[0], acc_sh.at[dst_v.at[0]], ssem).wait()

  src_hbms = (src0_hbm, src1_hbm, src2_hbm)
  dst_hbms = (dst0_hbm, dst1_hbm, dst2_hbm)
  for t in range(T):
    if t > 0:
      pltpu.sync_copy(acc_sh.at[pl.ds(row0, ROWS_PER_TILE)],
                      out_hbm.at[cid, t - 1, pl.ds(row0, ROWS_PER_TILE)])
    def zbody(k, c):
      bufs[0, k >> 3, pl.ds((k & 7) * LANES, LANES)] = jnp.zeros(
          (LANES,), jnp.float32)
      return c
    lax.fori_loop(0, CHUNK * (D // LANES), zbody, 0)
    zoff = 0
    while zoff < ROWS_PER_TILE:
      zn = min(CHUNK, ROWS_PER_TILE - zoff)
      pltpu.sync_copy(bufs.at[0, pl.ds(0, zn)],
                      acc_sh.at[pl.ds(row0 + zoff, zn)])
      zoff += zn
    plsc.subcore_barrier()

    gbase = 0
    for grp in GROUPS_T[t]:
      pltpu.sync_copy(src_hbms[t].at[wid, pl.ds(gbase, grp)],
                      src_v.at[pl.ds(0, grp)])
      pltpu.sync_copy(dst_hbms[t].at[wid, pl.ds(gbase, grp)],
                      dst_v.at[pl.ds(0, grp)])
      start_gather(0, 0)

      def cbody(c, carry):
        wait_gather()
        start_scatter(c, lax.rem(c, NBUF))

        @pl.when(c >= NBUF - 1)
        def _():
          wait_scatter()

        @pl.when(c + 1 < grp)
        def _():
          start_gather(c + 1, lax.rem(c + 1, NBUF))
        return carry
      lax.fori_loop(0, grp, cbody, 0)
      for _ in range(min(grp, NBUF - 1)):
        wait_scatter()
      gbase += grp
    plsc.subcore_barrier()

  pltpu.sync_copy(acc_sh.at[pl.ds(row0, ROWS_PER_TILE)],
                  out_hbm.at[cid, T - 1, pl.ds(row0, ROWS_PER_TILE)])


@jax.jit
def _sc_degrees(dst_deg):
  return pl.kernel(
      _deg_body,
      out_type=jax.ShapeDtypeStruct((NC, T * NP), jnp.float32),
      mesh=_mesh(),
      scratch_types=[
          pltpu.VMEM((DEGC, DCHUNK), jnp.int32),
          pltpu.VMEM((DCHUNK,), jnp.float32),
          pltpu.VMEM(((T * NP) // NS,), jnp.float32),
          pltpu.VMEM_SHARED((T * NP,), jnp.float32),
          pltpu.SemaphoreType.DMA,
      ],
  )(dst_deg)


@jax.jit
def _sc_gather_scatter(table, src_t, dst_t):
  return pl.kernel(
      _gs_body,
      out_type=jax.ShapeDtypeStruct((NC, T, NP, D), jnp.float32),
      mesh=_mesh(),
      scratch_types=[
          pltpu.VMEM((GRP_MAX, CHUNK), jnp.int32),
          pltpu.VMEM((GRP_MAX, CHUNK), jnp.int32),
          pltpu.VMEM((NBUF, CHUNK, D), jnp.float32),
          pltpu.VMEM_SHARED((NP, D), jnp.float32),
          pltpu.SemaphoreType.DMA,
          pltpu.SemaphoreType.DMA,
      ],
  )(table, *src_t, *dst_t)


def _dinv_cols(degb):
  dtot = degb[0:1, :] + degb[1:2, :]
  dinv = lax.rsqrt(dtot)
  eye = jnp.eye(D, dtype=jnp.float32)
  cols = []
  for s in range(BR // D):
    band = dinv[:, s * D:(s + 1) * D]
    cols.append(lax.dot_general(
        eye, band, (((1,), (1,)), ((), ())),
        preferred_element_type=jnp.float32))
  return jnp.concatenate(cols, axis=0)


def _slot_scale():
  return jnp.where(pl.program_id(0) == T, 2.0, 1.0).astype(jnp.float32)


def _tc1_body(x_ref, wl_ref, w1_ref, deg_ref, o_ref):
  xb = x_ref[0]
  xw = jnp.dot(jnp.dot(xb, wl_ref[...], preferred_element_type=jnp.float32),
               w1_ref[...], preferred_element_type=jnp.float32)
  o_ref[0] = xw * (_dinv_cols(deg_ref[...]) * _slot_scale())


def _tc2_body(acc_ref, deg_ref, w2_ref, b1_ref, o_ref):
  a = acc_ref[0, 0] + acc_ref[1, 0]
  dcol = _dinv_cols(deg_ref[...])
  h = jnp.maximum(a * dcol + b1_ref[...], 0.0)
  o_ref[0] = jnp.dot(h, w2_ref[...],
                     preferred_element_type=jnp.float32) * (
                         dcol * _slot_scale())


def _tc3_body(acc_ref, deg_ref, b2_ref, o_ref):
  a = acc_ref[0, 0] + acc_ref[1, 0]
  o_ref[0] = a * _dinv_cols(deg_ref[...]) + b2_ref[...]


def _tmin(t):
  return jnp.minimum(t, T - 1)


_W_SPEC = pl.BlockSpec((D, D), lambda t, i: (0, 0))
_DEG_SPEC = pl.BlockSpec((NC, BR), lambda t, i: (0, _tmin(t) * NB + i))
_DEG3_SPEC = pl.BlockSpec((NC, BR), lambda t, i: (0, t * NB + i))
_XIN_SPEC = pl.BlockSpec((1, BR, D), lambda t, i: (_tmin(t), i, 0))
_ROWS_SPEC = pl.BlockSpec((1, BR, D), lambda t, i: (t, i, 0))
_ACC_SPEC = pl.BlockSpec((NC, 1, BR, D), lambda t, i: (0, _tmin(t), i, 0))
_ACC3_SPEC = pl.BlockSpec((NC, 1, BR, D), lambda t, i: (0, t, i, 0))
_BIAS_SPEC = pl.BlockSpec((1, D), lambda t, i: (0, 0))


def _tc1(x_list, W_lin, W1, degs):
  return pl.pallas_call(
      _tc1_body,
      grid=(T1, NB),
      in_specs=[_XIN_SPEC, _W_SPEC, _W_SPEC, _DEG_SPEC],
      out_specs=_ROWS_SPEC,
      out_shape=jax.ShapeDtypeStruct((T1, NP, D), jnp.float32),
  )(x_list, W_lin, W1, degs)


def _tc2(acc, degs, W2, b1):
  return pl.pallas_call(
      _tc2_body,
      grid=(T1, NB),
      in_specs=[_ACC_SPEC, _DEG_SPEC, _W_SPEC, _BIAS_SPEC],
      out_specs=_ROWS_SPEC,
      out_shape=jax.ShapeDtypeStruct((T1, NP, D), jnp.float32),
  )(acc, degs, W2, b1)


def _tc3(acc, degs, b2):
  return pl.pallas_call(
      _tc3_body,
      grid=(T, NB),
      in_specs=[_ACC3_SPEC, _DEG3_SPEC, _BIAS_SPEC],
      out_specs=_ROWS_SPEC,
      out_shape=jax.ShapeDtypeStruct((T, N, D), jnp.float32),
  )(acc, degs, b2)


@jax.jit
def kernel(edge_index_list, x_list, W_lin, W1, b1, W2, b2):
  ei = edge_index_list.astype(jnp.int32)
  e_last = ei[T - 1]
  loop = jnp.arange(NP, dtype=jnp.int32)
  pad01 = N + (jnp.arange(PAD01, dtype=jnp.int32) % (NP - N))
  pad2 = N + (jnp.arange(PAD2, dtype=jnp.int32) % (NP - N))
  src_t, dst_t = [], []
  for t in range(2):
    src_t.append(
        (jnp.concatenate([ei[t, 0], e_last[0], loop, pad01]) + t * NP)
        .reshape(NW, NCH_T[t], CHUNK))
    dst_t.append(
        jnp.concatenate([ei[t, 1], e_last[1], loop, pad01])
        .reshape(NW, NCH_T[t], CHUNK))
  src_t.append(
      jnp.concatenate([e_last[0] + (T1 - 1) * NP,
                       loop + 2 * NP, pad2 + 2 * NP])
      .reshape(NW, NCH_T[2], CHUNK))
  dst_t.append(
      jnp.concatenate([e_last[1], loop, pad2]).reshape(NW, NCH_T[2], CHUNK))
  src_t = tuple(src_t)
  dst_t = tuple(dst_t)
  dpad = N + (jnp.arange(DPAD01, dtype=jnp.int32) % (NP - N))
  dst_deg = jnp.stack(
      [jnp.concatenate([ei[t, 1], e_last[1], loop, dpad]) + t * NP
       for t in range(T)]
  ).reshape(T, NW, DEGC // T, DCHUNK)

  degs = _sc_degrees(dst_deg)
  xs1 = _tc1(x_list, W_lin, W1, degs)
  acc1 = _sc_gather_scatter(xs1.reshape(T1 * NP, D), src_t, dst_t)
  xs2 = _tc2(acc1, degs, W2, b1.reshape(1, D))
  acc2 = _sc_gather_scatter(xs2.reshape(T1 * NP, D), src_t, dst_t)
  return _tc3(acc2, degs, b2.reshape(1, D))

# --- scband reference (transcript-rebuilt; emitter-appended) ---
"""Pipeline reference for scband-spa-seq-net-last-35476429865423 (READ-ONLY COPY).

The authoritative reference and input builder live on the scoring server;
editing this copy changes nothing except your own understanding.
"""

import jax, jax.numpy as jnp
import numpy as np

N_NODES = 10000
D_FEAT = 128
HID = 128  # 2 * nhid
T = 3
E = 320000


def gcn_conv(x, src, dst, W, b, n):
    # PyG GCNConv: linear transform, add self-loops, symmetric normalization, scatter-add
    loop = jnp.arange(n, dtype=src.dtype)
    src = jnp.concatenate([src, loop])
    dst = jnp.concatenate([dst, loop])
    deg = jax.ops.segment_sum(jnp.ones_like(src, dtype=x.dtype), dst, num_segments=n)
    dinv = jnp.where(deg > 0, 1.0 / jnp.sqrt(deg), 0.0)
    xw = x @ W
    norm = dinv[src] * dinv[dst]
    msgs = xw[src] * norm[:, None]
    out = jax.ops.segment_sum(msgs, dst, num_segments=n)
    return out + b


def setup_inputs(seed: int = 0) -> dict:
    key = jax.random.key(seed)
    k1, k2, k3, k4, k5, k6, k7 = jax.random.split(key, 7)
    edge_index_list = jax.random.randint(k1, (T, 2, E), 0, N_NODES)
    x_list = jax.random.normal(k2, (T, N_NODES, D_FEAT), dtype=jnp.float32)
    s_in = 1.0 / np.sqrt(D_FEAT)
    s_h = 1.0 / np.sqrt(HID)
    W_lin = jax.random.uniform(k3, (D_FEAT, HID), minval=-s_in, maxval=s_in, dtype=jnp.float32)
    W1 = jax.random.uniform(k4, (HID, HID), minval=-s_h, maxval=s_h, dtype=jnp.float32)
    b1 = jnp.zeros((HID,), dtype=jnp.float32)
    W2 = jax.random.uniform(k5, (HID, HID), minval=-s_h, maxval=s_h, dtype=jnp.float32)
    b2 = jnp.zeros((HID,), dtype=jnp.float32)
    return {"edge_index_list": edge_index_list, "x_list": x_list, "W_lin": W_lin,
            "W1": W1, "b1": b1, "W2": W2, "b2": b2}


def reference(edge_index_list, x_list, W_lin, W1, b1, W2, b2):
    e_last = edge_index_list[-1]
    outs = []
    for t in range(T):
        ei = jnp.concatenate([edge_index_list[t], e_last], axis=-1)
        src, dst = ei[0], ei[1]
        x = x_list[t] @ W_lin  # bias-free input projection
        h = gcn_conv(x, src, dst, W1, b1, N_NODES)
        h = jax.nn.relu(h)  # norm=0 -> identity, relu between layers
        h = gcn_conv(h, src, dst, W2, b2, N_NODES)
        outs.append(h)
    return jnp.stack(outs)

if __name__ == "__main__":
    import jax
    _d = setup_inputs()
    print(jax.jit(kernel)(*tuple(_d.values())))

</pallas_src>

<mosaic_0001>
#map = affine_map<(d0, d1) -> (0, 0, 0, 0)>
#map1 = affine_map<(d0, d1) -> (0, 0)>
module attributes {stable_mosaic.version = 14 : i64} {
  func.func @_deg_body(%arg0: i32, %arg1: i32, %arg2: memref<3x32x160x128xi32, #tpu.memory_space<hbm>>, %arg3: memref<2x30720xf32, #tpu.memory_space<hbm>>, %arg4: memref<480x128xi32, #tpu.memory_space<vmem>>, %arg5: memref<128xf32, #tpu.memory_space<vmem>>, %arg6: memref<1920xf32, #tpu.memory_space<vmem>>, %arg7: memref<30720xf32, #tpu.memory_space<vmem_shared>>, %arg8: memref<!tpu.dma_semaphore, #tpu.memory_space<semaphore_mem>>) attributes {dimension_semantics = [#tpu.dimension_semantics<core_parallel>, #tpu.dimension_semantics<subcore_parallel>], iteration_bounds = array<i64: 2, 16>, scalar_prefetch = 0 : i64, scratch_operands = 5 : i64, tpu.core_type = #tpu.core_type<sc_vector_subcore>, window_params = [{transform_indices = #map}, {transform_indices = #map1}]} {
    %mul3A = arith.constant 16 : i32
    %mul3A_0 = arith.muli %arg0, %mul3A : i32
    %add3A = arith.addi %mul3A_0, %arg1 : i32
    %broadcast_in_dim3A = arith.constant 1.000000e+00 : f32
    %broadcast_in_dim3A_1 = vector.broadcast %broadcast_in_dim3A : f32 to vector<16xf32>
    %swap3A = arith.constant 0 : index
    %swap3A_2 = tpu.vector_load %arg5[%swap3A] {strides = array<i32>} : memref<128xf32, #tpu.memory_space<vmem>>, vector<16xf32>,
    %swap3A_3 = vector.shape_cast %swap3A_2 : vector<16xf32> to vector<16xf32>
    %swap3A_4 = vector.shape_cast %broadcast_in_dim3A_1 : vector<16xf32> to vector<16xf32>
    tpu.vector_store %arg5[%swap3A], %swap3A_4 {strides = array<i32>} : memref<128xf32, #tpu.memory_space<vmem>>, vector<16xf32>,
    %broadcast_in_dim3A_5 = arith.constant 1.000000e+00 : f32
    %broadcast_in_dim3A_6 = vector.broadcast %broadcast_in_dim3A_5 : f32 to vector<16xf32>
    %swap3A_7 = arith.constant 16 : index
    %swap3A_8 = tpu.vector_load %arg5[%swap3A_7] {strides = array<i32>} : memref<128xf32, #tpu.memory_space<vmem>>, vector<16xf32>,
    %swap3A_9 = vector.shape_cast %swap3A_8 : vector<16xf32> to vector<16xf32>
    %swap3A_10 = vector.shape_cast %broadcast_in_dim3A_6 : vector<16xf32> to vector<16xf32>
    tpu.vector_store %arg5[%swap3A_7], %swap3A_10 {strides = array<i32>} : memref<128xf32, #tpu.memory_space<vmem>>, vector<16xf32>,
    %broadcast_in_dim3A_11 = arith.constant 1.000000e+00 : f32
    %broadcast_in_dim3A_12 = vector.broadcast %broadcast_in_dim3A_11 : f32 to vector<16xf32>
    %swap3A_13 = arith.constant 32 : index
    %swap3A_14 = tpu.vector_load %arg5[%swap3A_13] {strides = array<i32>} : memref<128xf32, #tpu.memory_space<vmem>>, vector<16xf32>,
    %swap3A_15 = vector.shape_cast %swap3A_14 : vector<16xf32> to vector<16xf32>
    %swap3A_16 = vector.shape_cast %broadcast_in_dim3A_12 : vector<16xf32> to vector<16xf32>
    tpu.vector_store %arg5[%swap3A_13], %swap3A_16 {strides = array<i32>} : memref<128xf32, #tpu.memory_space<vmem>>, vector<16xf32>,
    %broadcast_in_dim3A_17 = arith.constant 1.000000e+00 : f32
    %broadcast_in_dim3A_18 = vector.broadcast %broadcast_in_dim3A_17 : f32 to vector<16xf32>
    %swap3A_19 = arith.constant 48 : index
    %swap3A_20 = tpu.vector_load %arg5[%swap3A_19] {strides = array<i32>} : memref<128xf32, #tpu.memory_space<vmem>>, vector<16xf32>,
    %swap3A_21 = vector.shape_cast %swap3A_20 : vector<16xf32> to vector<16xf32>
    %swap3A_22 = vector.shape_cast %broadcast_in_dim3A_18 : vector<16xf32> to vector<16xf32>
    tpu.vector_store %arg5[%swap3A_19], %swap3A_22 {strides = array<i32>} : memref<128xf32, #tpu.memory_space<vmem>>, vector<16xf32>,
    %broadcast_in_dim3A_23 = arith.constant 1.000000e+00 : f32
    %broadcast_in_dim3A_24 = vector.broadcast %broadcast_in_dim3A_23 : f32 to vector<16xf32>
    %swap3A_25 = arith.constant 64 : index
    %swap3A_26 = tpu.vector_load %arg5[%swap3A_25] {strides = array<i32>} : memref<128xf32, #tpu.memory_space<vmem>>, vector<16xf32>,
    %swap3A_27 = vector.shape_cast %swap3A_26 : vector<16xf32> to vector<16xf32>
    %swap3A_28 = vector.shape_cast %broadcast_in_dim3A_24 : vector<16xf32> to vector<16xf32>
    tpu.vector_store %arg5[%swap3A_25], %swap3A_28 {strides = array<i32>} : memref<128xf32, #tpu.memory_space<vmem>>, vector<16xf32>,
    %broadcast_in_dim3A_29 = arith.constant 1.000000e+00 : f32
    %broadcast_in_dim3A_30 = vector.broadcast %broadcast_in_dim3A_29 : f32 to vector<16xf32>
    %swap3A_31 = arith.constant 80 : index
    %swap3A_32 = tpu.vector_load %arg5[%swap3A_31] {strides = array<i32>} : memref<128xf32, #tpu.memory_space<vmem>>, vector<16xf32>,
    %swap3A_33 = vector.shape_cast %swap3A_32 : vector<16xf32> to vector<16xf32>
    %swap3A_34 = vector.shape_cast %broadcast_in_dim3A_30 : vector<16xf32> to vector<16xf32>
    tpu.vector_store %arg5[%swap3A_31], %swap3A_34 {strides = array<i32>} : memref<128xf32, #tpu.memory_space<vmem>>, vector<16xf32>,
    %broadcast_in_dim3A_35 = arith.constant 1.000000e+00 : f32
    %broadcast_in_dim3A_36 = vector.broadcast %broadcast_in_dim3A_35 : f32 to vector<16xf32>
    %swap3A_37 = arith.constant 96 : index
    %swap3A_38 = tpu.vector_load %arg5[%swap3A_37] {strides = array<i32>} : memref<128xf32, #tpu.memory_space<vmem>>, vector<16xf32>,
    %swap3A_39 = vector.shape_cast %swap3A_38 : vector<16xf32> to vector<16xf32>
    %swap3A_40 = vector.shape_cast %broadcast_in_dim3A_36 : vector<16xf32> to vector<16xf32>
    tpu.vector_store %arg5[%swap3A_37], %swap3A_40 {strides = array<i32>} : memref<128xf32, #tpu.memory_space<vmem>>, vector<16xf32>,
    %broadcast_in_dim3A_41 = arith.constant 1.000000e+00 : f32
    %broadcast_in_dim3A_42 = vector.broadcast %broadcast_in_dim3A_41 : f32 to vector<16xf32>
    %swap3A_43 = arith.constant 112 : index
    %swap3A_44 = tpu.vector_load %arg5[%swap3A_43] {strides = array<i32>} : memref<128xf32, #tpu.memory_space<vmem>>, vector<16xf32>,
    %swap3A_45 = vector.shape_cast %swap3A_44 : vector<16xf32> to vector<16xf32>
    %swap3A_46 = vector.shape_cast %broadcast_in_dim3A_42 : vector<16xf32> to vector<16xf32>
    tpu.vector_store %arg5[%swap3A_43], %swap3A_46 {strides = array<i32>} : memref<128xf32, #tpu.memory_space<vmem>>, vector<16xf32>,
    %scan3A = arith.constant 0 : i32
    %scan3A_47 = arith.constant 0 : i32
    %scan3A_48 = arith.constant 120 : i32
    %scan3A_49 = arith.addi %scan3A_47, %scan3A_48 : i32
    %scan3A_50 = arith.constant 1 : i32
    scf.for %scan3A_67 = %scan3A_47 to %scan3A_49 step %scan3A_50  : i32 {
      %broadcast_in_dim3A_68 = arith.constant 0.000000e+00 : f32
      %broadcast_in_dim3A_69 = vector.broadcast %broadcast_in_dim3A_68 : f32 to vector<16xf32>
      %mul3A_70 = arith.constant 16 : i32
      %mul3A_71 = arith.muli %scan3A_67, %mul3A_70 : i32
      %swap3A_72 = arith.index_cast %mul3A_71 : i32 to index
      %swap3A_73 = tpu.vector_load %arg6[%swap3A_72] {strides = array<i32>} : memref<1920xf32, #tpu.memory_space<vmem>>, vector<16xf32>,
      %swap3A_74 = vector.shape_cast %swap3A_73 : vector<16xf32> to vector<16xf32>
      %swap3A_75 = vector.shape_cast %broadcast_in_dim3A_69 : vector<16xf32> to vector<16xf32>
      tpu.vector_store %arg6[%swap3A_72], %swap3A_75 {strides = array<i32>} : memref<1920xf32, #tpu.memory_space<vmem>>, vector<16xf32>,
    }
    %scan3A_51 = arith.constant 120 : i32
    %run_scoped3A = arith.constant 0 : i32
    "tpu.region"() ({
      %run_scoped3A_67 = tpu.sem_alloc : memref<!tpu.dma_semaphore, #tpu.memory_space<semaphore_mem>>
      %dma_start3A = arith.constant 0 : i32
      %dma_start3A_68 = arith.constant 0 : i32
      %dma_start3A_69 = tpu.memref_slice %arg4[%dma_start3A, %dma_start3A_68] : memref<480x128xi32, #tpu.memory_space<vmem>> -> memref<160x128xi32, #tpu.memory_space<vmem>>
      %dma_start3A_70 = arith.constant 0 : i32
      %dma_start3A_71 = arith.constant 0 : i32
      %dma_start3A_72 = tpu.memref_slice %arg2[%run_scoped3A, %add3A, %dma_start3A_70, %dma_start3A_71] : memref<3x32x160x128xi32, #tpu.memory_space<hbm>> -> memref<1x1x160x128xi32, #tpu.memory_space<hbm>>
      %dma_start3A_73 = tpu.memref_squeeze %dma_start3A_72 : memref<1x1x160x128xi32, #tpu.memory_space<hbm>> -> memref<160x128xi32, #tpu.memory_space<hbm>>
      %dma_start3A_74 = arith.constant 0 : i32
      %dma_start3A_75 = arith.constant 0 : i32
      %dma_start3A_76 = tpu.memref_slice %arg4[%dma_start3A_74, %dma_start3A_75] : memref<480x128xi32, #tpu.memory_space<vmem>> -> memref<160x128xi32, #tpu.memory_space<vmem>>
      %dma_start3A_77 = arith.constant 0 : i32
      %dma_start3A_78 = arith.constant 0 : i32
      %dma_start3A_79 = tpu.memref_slice %arg2[%run_scoped3A, %add3A, %dma_start3A_77, %dma_start3A_78] : memref<3x32x160x128xi32, #tpu.memory_space<hbm>> -> memref<1x1x160x128xi32, #tpu.memory_space<hbm>>
      %dma_start3A_80 = tpu.memref_squeeze %dma_start3A_79 : memref<1x1x160x128xi32, #tpu.memory_space<hbm>> -> memref<160x128xi32, #tpu.memory_space<hbm>>
      tpu.enqueue_dma source(%dma_start3A_80 : memref<160x128xi32, #tpu.memory_space<hbm>>) target(%dma_start3A_76 : memref<160x128xi32, #tpu.memory_space<vmem>>) target_semaphore(%run_scoped3A_67 : memref<!tpu.dma_semaphore, #tpu.memory_space<semaphore_mem>>)
      %dma_wait3A = arith.constant 0 : i32
      %dma_wait3A_81 = arith.constant 0 : i32
      %dma_wait3A_82 = tpu.memref_slice %arg4[%dma_wait3A, %dma_wait3A_81] : memref<480x128xi32, #tpu.memory_space<vmem>> -> memref<160x128xi32, #tpu.memory_space<vmem>>
      %dma_wait3A_83 = arith.constant 0 : i32
      %dma_wait3A_84 = arith.constant 0 : i32
      %dma_wait3A_85 = tpu.memref_slice %arg2[%run_scoped3A, %add3A, %dma_wait3A_83, %dma_wait3A_84] : memref<3x32x160x128xi32, #tpu.memory_space<hbm>> -> memref<1x1x160x128xi32, #tpu.memory_space<hbm>>
      %dma_wait3A_86 = tpu.memref_squeeze %dma_wait3A_85 : memref<1x1x160x128xi32, #tpu.memory_space<hbm>> -> memref<160x128xi32, #tpu.memory_space<hbm>>
      %dma_wait3A_87 = arith.constant 0 : i32
      %dma_wait3A_88 = arith.constant 0 : i32
      %dma_wait3A_89 = tpu.memref_slice %arg4[%dma_wait3A_87, %dma_wait3A_88] : memref<480x128xi32, #tpu.memory_space<vmem>> -> memref<160x128xi32, #tpu.memory_space<vmem>>
      %dma_wait3A_90 = arith.constant 0 : i32
      %dma_wait3A_91 = arith.constant 0 : i32
      %dma_wait3A_92 = tpu.memref_slice %arg2[%run_scoped3A, %add3A, %dma_wait3A_90, %dma_wait3A_91] : memref<3x32x160x128xi32, #tpu.memory_space<hbm>> -> memref<1x1x160x128xi32, #tpu.memory_space<hbm>>
      %dma_wait3A_93 = tpu.memref_squeeze %dma_wait3A_92 : memref<1x1x160x128xi32, #tpu.memory_space<hbm>> -> memref<160x128xi32, #tpu.memory_space<hbm>>
      tpu.wait_dma2 semaphore(%run_scoped3A_67 : memref<!tpu.dma_semaphore, #tpu.memory_space<semaphore_mem>>) src(%dma_wait3A_93 : memref<160x128xi32, #tpu.memory_space<hbm>>) dst(%dma_wait3A_89 : memref<160x128xi32, #tpu.memory_space<vmem>>)
      tpu.yield
    }) : () -> ()
    %run_scoped3A_52 = arith.constant 1 : i32
    "tpu.region"() ({
      %run_scoped3A_67 = tpu.sem_alloc : memref<!tpu.dma_semaphore, #tpu.memory_space<semaphore_mem>>
      %dma_start3A = arith.constant 160 : i32
      %dma_start3A_68 = arith.constant 0 : i32
      %dma_start3A_69 = tpu.memref_slice %arg4[%dma_start3A, %dma_start3A_68] : memref<480x128xi32, #tpu.memory_space<vmem>> -> memref<160x128xi32, #tpu.memory_space<vmem>>
      %dma_start3A_70 = arith.constant 0 : i32
      %dma_start3A_71 = arith.constant 0 : i32
      %dma_start3A_72 = tpu.memref_slice %arg2[%run_scoped3A_52, %add3A, %dma_start3A_70, %dma_start3A_71] : memref<3x32x160x128xi32, #tpu.memory_space<hbm>> -> memref<1x1x160x128xi32, #tpu.memory_space<hbm>>
      %dma_start3A_73 = tpu.memref_squeeze %dma_start3A_72 : memref<1x1x160x128xi32, #tpu.memory_space<hbm>> -> memref<160x128xi32, #tpu.memory_space<hbm>>
      %dma_start3A_74 = arith.constant 160 : i32
      %dma_start3A_75 = arith.constant 0 : i32
      %dma_start3A_76 = tpu.memref_slice %arg4[%dma_start3A_74, %dma_start3A_75] : memref<480x128xi32, #tpu.memory_space<vmem>> -> memref<160x128xi32, #tpu.memory_space<vmem>>
      %dma_start3A_77 = arith.constant 0 : i32
      %dma_start3A_78 = arith.constant 0 : i32
      %dma_start3A_79 = tpu.memref_slice %arg2[%run_scoped3A_52, %add3A, %dma_start3A_77, %dma_start3A_78] : memref<3x32x160x128xi32, #tpu.memory_space<hbm>> -> memref<1x1x160x128xi32, #tpu.memory_space<hbm>>
      %dma_start3A_80 = tpu.memref_squeeze %dma_start3A_79 : memref<1x1x160x128xi32, #tpu.memory_space<hbm>> -> memref<160x128xi32, #tpu.memory_space<hbm>>
      tpu.enqueue_dma source(%dma_start3A_80 : memref<160x128xi32, #tpu.memory_space<hbm>>) target(%dma_start3A_76 : memref<160x128xi32, #tpu.memory_space<vmem>>) target_semaphore(%run_scoped3A_67 : memref<!tpu.dma_semaphore, #tpu.memory_space<semaphore_mem>>)
      %dma_wait3A = arith.constant 160 : i32
      %dma_wait3A_81 = arith.constant 0 : i32
      %dma_wait3A_82 = tpu.memref_slice %arg4[%dma_wait3A, %dma_wait3A_81] : memref<480x128xi32, #tpu.memory_space<vmem>> -> memref<160x128xi32, #tpu.memory_space<vmem>>
      %dma_wait3A_83 = arith.constant 0 : i32
      %dma_wait3A_84 = arith.constant 0 : i32
      %dma_wait3A_85 = tpu.memref_slice %arg2[%run_scoped3A_52, %add3A, %dma_wait3A_83, %dma_wait3A_84] : memref<3x32x160x128xi32, #tpu.memory_space<hbm>> -> memref<1x1x160x128xi32, #tpu.memory_space<hbm>>
      %dma_wait3A_86 = tpu.memref_squeeze %dma_wait3A_85 : memref<1x1x160x128xi32, #tpu.memory_space<hbm>> -> memref<160x128xi32, #tpu.memory_space<hbm>>
      %dma_wait3A_87 = arith.constant 160 : i32
      %dma_wait3A_88 = arith.constant 0 : i32
      %dma_wait3A_89 = tpu.memref_slice %arg4[%dma_wait3A_87, %dma_wait3A_88] : memref<480x128xi32, #tpu.memory_space<vmem>> -> memref<160x128xi32, #tpu.memory_space<vmem>>
      %dma_wait3A_90 = arith.constant 0 : i32
      %dma_wait3A_91 = arith.constant 0 : i32
      %dma_wait3A_92 = tpu.memref_slice %arg2[%run_scoped3A_52, %add3A, %dma_wait3A_90, %dma_wait3A_91] : memref<3x32x160x128xi32, #tpu.memory_space<hbm>> -> memref<1x1x160x128xi32, #tpu.memory_space<hbm>>
      %dma_wait3A_93 = tpu.memref_squeeze %dma_wait3A_92 : memref<1x1x160x128xi32, #tpu.memory_space<hbm>> -> memref<160x128xi32, #tpu.memory_space<hbm>>
      tpu.wait_dma2 semaphore(%run_scoped3A_67 : memref<!tpu.dma_semaphore, #tpu.memory_space<semaphore_mem>>) src(%dma_wait3A_93 : memref<160x128xi32, #tpu.memory_space<hbm>>) dst(%dma_wait3A_89 : memref<160x128xi32, #tpu.memory_space<vmem>>)
      tpu.yield
    }) : () -> ()
    %run_scoped3A_53 = arith.constant 2 : i32
    "tpu.region"() ({
      %run_scoped3A_67 = tpu.sem_alloc : memref<!tpu.dma_semaphore, #tpu.memory_space<semaphore_mem>>
      %dma_start3A = arith.constant 320 : i32
      %dma_start3A_68 = arith.constant 0 : i32
      %dma_start3A_69 = tpu.memref_slice %arg4[%dma_start3A, %dma_start3A_68] : memref<480x128xi32, #tpu.memory_space<vmem>> -> memref<160x128xi32, #tpu.memory_space<vmem>>
      %dma_start3A_70 = arith.constant 0 : i32
      %dma_start3A_71 = arith.constant 0 : i32
      %dma_start3A_72 = tpu.memref_slice %arg2[%run_scoped3A_53, %add3A, %dma_start3A_70, %dma_start3A_71] : memref<3x32x160x128xi32, #tpu.memory_space<hbm>> -> memref<1x1x160x128xi32, #tpu.memory_space<hbm>>
      %dma_start3A_73 = tpu.memref_squeeze %dma_start3A_72 : memref<1x1x160x128xi32, #tpu.memory_space<hbm>> -> memref<160x128xi32, #tpu.memory_space<hbm>>
      %dma_start3A_74 = arith.constant 320 : i32
      %dma_start3A_75 = arith.constant 0 : i32
      %dma_start3A_76 = tpu.memref_slice %arg4[%dma_start3A_74, %dma_start3A_75] : memref<480x128xi32, #tpu.memory_space<vmem>> -> memref<160x128xi32, #tpu.memory_space<vmem>>
      %dma_start3A_77 = arith.constant 0 : i32
      %dma_start3A_78 = arith.constant 0 : i32
      %dma_start3A_79 = tpu.memref_slice %arg2[%run_scoped3A_53, %add3A, %dma_start3A_77, %dma_start3A_78] : memref<3x32x160x128xi32, #tpu.memory_space<hbm>> -> memref<1x1x160x128xi32, #tpu.memory_space<hbm>>
      %dma_start3A_80 = tpu.memref_squeeze %dma_start3A_79 : memref<1x1x160x128xi32, #tpu.memory_space<hbm>> -> memref<160x128xi32, #tpu.memory_space<hbm>>
      tpu.enqueue_dma source(%dma_start3A_80 : memref<160x128xi32, #tpu.memory_space<hbm>>) target(%dma_start3A_76 : memref<160x128xi32, #tpu.memory_space<vmem>>) target_semaphore(%run_scoped3A_67 : memref<!tpu.dma_semaphore, #tpu.memory_space<semaphore_mem>>)
      %dma_wait3A = arith.constant 320 : i32
      %dma_wait3A_81 = arith.constant 0 : i32
      %dma_wait3A_82 = tpu.memref_slice %arg4[%dma_wait3A, %dma_wait3A_81] : memref<480x128xi32, #tpu.memory_space<vmem>> -> memref<160x128xi32, #tpu.memory_space<vmem>>
      %dma_wait3A_83 = arith.constant 0 : i32
      %dma_wait3A_84 = arith.constant 0 : i32
      %dma_wait3A_85 = tpu.memref_slice %arg2[%run_scoped3A_53, %add3A, %dma_wait3A_83, %dma_wait3A_84] : memref<3x32x160x128xi32, #tpu.memory_space<hbm>> -> memref<1x1x160x128xi32, #tpu.memory_space<hbm>>
      %dma_wait3A_86 = tpu.memref_squeeze %dma_wait3A_85 : memref<1x1x160x128xi32, #tpu.memory_space<hbm>> -> memref<160x128xi32, #tpu.memory_space<hbm>>
      %dma_wait3A_87 = arith.constant 320 : i32
      %dma_wait3A_88 = arith.constant 0 : i32
      %dma_wait3A_89 = tpu.memref_slice %arg4[%dma_wait3A_87, %dma_wait3A_88] : memref<480x128xi32, #tpu.memory_space<vmem>> -> memref<160x128xi32, #tpu.memory_space<vmem>>
      %dma_wait3A_90 = arith.constant 0 : i32
      %dma_wait3A_91 = arith.constant 0 : i32
      %dma_wait3A_92 = tpu.memref_slice %arg2[%run_scoped3A_53, %add3A, %dma_wait3A_90, %dma_wait3A_91] : memref<3x32x160x128xi32, #tpu.memory_space<hbm>> -> memref<1x1x160x128xi32, #tpu.memory_space<hbm>>
      %dma_wait3A_93 = tpu.memref_squeeze %dma_wait3A_92 : memref<1x1x160x128xi32, #tpu.memory_space<hbm>> -> memref<160x128xi32, #tpu.memory_space<hbm>>
      tpu.wait_dma2 semaphore(%run_scoped3A_67 : memref<!tpu.dma_semaphore, #tpu.memory_space<semaphore_mem>>) src(%dma_wait3A_93 : memref<160x128xi32, #tpu.memory_space<hbm>>) dst(%dma_wait3A_89 : memref<160x128xi32, #tpu.memory_space<vmem>>)
      tpu.yield
    }) : () -> ()
    %mul3A_54 = arith.constant 1920 : i32
    %mul3A_55 = arith.muli %arg1, %mul3A_54 : i32
    "tpu.region"() ({
      %run_scoped3A_67 = tpu.sem_alloc : memref<!tpu.dma_semaphore, #tpu.memory_space<semaphore_mem>>
      %dma_start3A = tpu.memref_slice %arg7[%mul3A_55] : memref<30720xf32, #tpu.memory_space<vmem_shared>> -> memref<1920xf32, #tpu.memory_space<vmem_shared>>
      %dma_start3A_68 = tpu.memref_slice %arg7[%mul3A_55] : memref<30720xf32, #tpu.memory_space<vmem_shared>> -> memref<1920xf32, #tpu.memory_space<vmem_shared>>
      tpu.enqueue_dma source(%arg6 : memref<1920xf32, #tpu.memory_space<vmem>>) target(%dma_start3A_68 : memref<1920xf32, #tpu.memory_space<vmem_shared>>) target_semaphore(%run_scoped3A_67 : memref<!tpu.dma_semaphore, #tpu.memory_space<semaphore_mem>>)
      %dma_wait3A = tpu.memref_slice %arg7[%mul3A_55] : memref<30720xf32, #tpu.memory_space<vmem_shared>> -> memref<1920xf32, #tpu.memory_space<vmem_shared>>
      %dma_wait3A_69 = tpu.memref_slice %arg7[%mul3A_55] : memref<30720xf32, #tpu.memory_space<vmem_shared>> -> memref<1920xf32, #tpu.memory_space<vmem_shared>>
      tpu.wait_dma2 semaphore(%run_scoped3A_67 : memref<!tpu.dma_semaphore, #tpu.memory_space<semaphore_mem>>) src(%arg6 : memref<1920xf32, #tpu.memory_space<vmem>>) dst(%dma_wait3A_69 : memref<1920xf32, #tpu.memory_space<vmem_shared>>)
      tpu.yield
    }) : () -> ()
    %barrier3A = arith.constant 0 : index
    tpu.barrier barrier_id(%barrier3A)
    %scan3A_56 = arith.constant 0 : i32
    %scan3A_57 = arith.constant 0 : i32
    %scan3A_58 = arith.constant 80 : i32
    %scan3A_59 = arith.addi %scan3A_57, %scan3A_58 : i32
    %scan3A_60 = arith.constant 1 : i32
    scf.for %scan3A_67 = %scan3A_57 to %scan3A_59 step %scan3A_60  : i32 {
      %mul3A_68 = arith.constant 6 : i32
      %mul3A_69 = arith.muli %scan3A_67, %mul3A_68 : i32
      %add3A_70 = arith.constant 0 : i32
      %add3A_71 = arith.addi %mul3A_69, %add3A_70 : i32
      %dma_start3A = arith.constant 0 : i32
      %dma_start3A_72 = tpu.memref_slice %arg4[%add3A_71, %dma_start3A] : memref<480x128xi32, #tpu.memory_space<vmem>> -> memref<1x128xi32, #tpu.memory_space<vmem>>
      %dma_start3A_73 = tpu.memref_squeeze %dma_start3A_72 : memref<1x128xi32, #tpu.memory_space<vmem>> -> memref<128xi32, #tpu.memory_space<vmem>>
      %dma_start3A_74 = arith.constant 0 : i32
      %dma_start3A_75 = tpu.memref_slice %arg7[%dma_start3A_74] : memref<30720xf32, #tpu.memory_space<vmem_shared>> -> memref<30720xf32, #tpu.memory_space<vmem_shared>>
      tpu.enqueue_indirect_dma source(%arg5 : memref<128xf32, #tpu.memory_space<vmem>>) target(%dma_start3A_75 : memref<30720xf32, #tpu.memory_space<vmem_shared>>) offsets(%dma_start3A_73 : memref<128xi32, #tpu.memory_space<vmem>>) semaphore(%arg8 : memref<!tpu.dma_semaphore, #tpu.memory_space<semaphore_mem>>) {add = true}
      %mul3A_76 = arith.constant 6 : i32
      %mul3A_77 = arith.muli %scan3A_67, %mul3A_76 : i32
      %add3A_78 = arith.constant 1 : i32
      %add3A_79 = arith.addi %mul3A_77, %add3A_78 : i32
      %dma_start3A_80 = arith.constant 0 : i32
      %dma_start3A_81 = tpu.memref_slice %arg4[%add3A_79, %dma_start3A_80] : memref<480x128xi32, #tpu.memory_space<vmem>> -> memref<1x128xi32, #tpu.memory_space<vmem>>
      %dma_start3A_82 = tpu.memref_squeeze %dma_start3A_81 : memref<1x128xi32, #tpu.memory_space<vmem>> -> memref<128xi32, #tpu.memory_space<vmem>>
      %dma_start3A_83 = arith.constant 0 : i32
      %dma_start3A_84 = tpu.memref_slice %arg7[%dma_start3A_83] : memref<30720xf32, #tpu.memory_space<vmem_shared>> -> memref<30720xf32, #tpu.memory_space<vmem_shared>>
      tpu.enqueue_indirect_dma source(%arg5 : memref<128xf32, #tpu.memory_space<vmem>>) target(%dma_start3A_84 : memref<30720xf32, #tpu.memory_space<vmem_shared>>) offsets(%dma_start3A_82 : memref<128xi32, #tpu.memory_space<vmem>>) semaphore(%arg8 : memref<!tpu.dma_semaphore, #tpu.memory_space<semaphore_mem>>) {add = true}
      %mul3A_85 = arith.constant 6 : i32
      %mul3A_86 = arith.muli %scan3A_67, %mul3A_85 : i32
      %add3A_87 = arith.constant 2 : i32
      %add3A_88 = arith.addi %mul3A_86, %add3A_87 : i32
      %dma_start3A_89 = arith.constant 0 : i32
      %dma_start3A_90 = tpu.memref_slice %arg4[%add3A_88, %dma_start3A_89] : memref<480x128xi32, #tpu.memory_space<vmem>> -> memref<1x128xi32, #tpu.memory_space<vmem>>
      %dma_start3A_91 = tpu.memref_squeeze %dma_start3A_90 : memref<1x128xi32, #tpu.memory_space<vmem>> -> memref<128xi32, #tpu.memory_space<vmem>>
      %dma_start3A_92 = arith.constant 0 : i32
      %dma_start3A_93 = tpu.memref_slice %arg7[%dma_start3A_92] : memref<30720xf32, #tpu.memory_space<vmem_shared>> -> memref<30720xf32, #tpu.memory_space<vmem_shared>>
      tpu.enqueue_indirect_dma source(%arg5 : memref<128xf32, #tpu.memory_space<vmem>>) target(%dma_start3A_93 : memref<30720xf32, #tpu.memory_space<vmem_shared>>) offsets(%dma_start3A_91 : memref<128xi32, #tpu.memory_space<vmem>>) semaphore(%arg8 : memref<!tpu.dma_semaphore, #tpu.memory_space<semaphore_mem>>) {add = true}
      %mul3A_94 = arith.constant 6 : i32
      %mul3A_95 = arith.muli %scan3A_67, %mul3A_94 : i32
      %add3A_96 = arith.constant 3 : i32
      %add3A_97 = arith.addi %mul3A_95, %add3A_96 : i32
      %dma_start3A_98 = arith.constant 0 : i32
      %dma_start3A_99 = tpu.memref_slice %arg4[%add3A_97, %dma_start3A_98] : memref<480x128xi32, #tpu.memory_space<vmem>> -> memref<1x128xi32, #tpu.memory_space<vmem>>
      %dma_start3A_100 = tpu.memref_squeeze %dma_start3A_99 : memref<1x128xi32, #tpu.memory_space<vmem>> -> memref<128xi32, #tpu.memory_space<vmem>>
      %dma_start3A_101 = arith.constant 0 : i32
      %dma_start3A_102 = tpu.memref_slice %arg7[%dma_start3A_101] : memref<30720xf32, #tpu.memory_space<vmem_shared>> -> memref<30720xf32, #tpu.memory_space<vmem_shared>>
      tpu.enqueue_indirect_dma source(%arg5 : memref<128xf32, #tpu.memory_space<vmem>>) target(%dma_start3A_102 : memref<30720xf32, #tpu.memory_space<vmem_shared>>) offsets(%dma_start3A_100 : memref<128xi32, #tpu.memory_space<vmem>>) semaphore(%arg8 : memref<!tpu.dma_semaphore, #tpu.memory_space<semaphore_mem>>) {add = true}
      %mul3A_103 = arith.constant 6 : i32
      %mul3A_104 = arith.muli %scan3A_67, %mul3A_103 : i32
      %add3A_105 = arith.constant 4 : i32
      %add3A_106 = arith.addi %mul3A_104, %add3A_105 : i32
      %dma_start3A_107 = arith.constant 0 : i32
      %dma_start3A_108 = tpu.memref_slice %arg4[%add3A_106, %dma_start3A_107] : memref<480x128xi32, #tpu.memory_space<vmem>> -> memref<1x128xi32, #tpu.memory_space<vmem>>
      %dma_start3A_109 = tpu.memref_squeeze %dma_start3A_108 : memref<1x128xi32, #tpu.memory_space<vmem>> -> memref<128xi32, #tpu.memory_space<vmem>>
      %dma_start3A_110 = arith.constant 0 : i32
      %dma_start3A_111 = tpu.memref_slice %arg7[%dma_start3A_110] : memref<30720xf32, #tpu.memory_space<vmem_shared>> -> memref<30720xf32, #tpu.memory_space<vmem_shared>>
      tpu.enqueue_indirect_dma source(%arg5 : memref<128xf32, #tpu.memory_space<vmem>>) target(%dma_start3A_111 : memref<30720xf32, #tpu.memory_space<vmem_shared>>) offsets(%dma_start3A_109 : memref<128xi32, #tpu.memory_space<vmem>>) semaphore(%arg8 : memref<!tpu.dma_semaphore, #tpu.memory_space<semaphore_mem>>) {add = true}
      %mul3A_112 = arith.constant 6 : i32
      %mul3A_113 = arith.muli %scan3A_67, %mul3A_112 : i32
      %add3A_114 = arith.constant 5 : i32
      %add3A_115 = arith.addi %mul3A_113, %add3A_114 : i32
      %dma_start3A_116 = arith.constant 0 : i32
      %dma_start3A_117 = tpu.memref_slice %arg4[%add3A_115, %dma_start3A_116] : memref<480x128xi32, #tpu.memory_space<vmem>> -> memref<1x128xi32, #tpu.memory_space<vmem>>
      %dma_start3A_118 = tpu.memref_squeeze %dma_start3A_117 : memref<1x128xi32, #tpu.memory_space<vmem>> -> memref<128xi32, #tpu.memory_space<vmem>>
      %dma_start3A_119 = arith.constant 0 : i32
      %dma_start3A_120 = tpu.memref_slice %arg7[%dma_start3A_119] : memref<30720xf32, #tpu.memory_space<vmem_shared>> -> memref<30720xf32, #tpu.memory_space<vmem_shared>>
      tpu.enqueue_indirect_dma source(%arg5 : memref<128xf32, #tpu.memory_space<vmem>>) target(%dma_start3A_120 : memref<30720xf32, #tpu.memory_space<vmem_shared>>) offsets(%dma_start3A_118 : memref<128xi32, #tpu.memory_space<vmem>>) semaphore(%arg8 : memref<!tpu.dma_semaphore, #tpu.memory_space<semaphore_mem>>) {add = true}
      %dma_wait3A = arith.constant 0 : i32
      %dma_wait3A_121 = arith.constant 0 : i32
      %dma_wait3A_122 = tpu.memref_slice %arg4[%dma_wait3A, %dma_wait3A_121] : memref<480x128xi32, #tpu.memory_space<vmem>> -> memref<1x128xi32, #tpu.memory_space<vmem>>
      %dma_wait3A_123 = tpu.memref_squeeze %dma_wait3A_122 : memref<1x128xi32, #tpu.memory_space<vmem>> -> memref<128xi32, #tpu.memory_space<vmem>>
      %dma_wait3A_124 = arith.constant 0 : i32
      %dma_wait3A_125 = tpu.memref_slice %arg7[%dma_wait3A_124] : memref<30720xf32, #tpu.memory_space<vmem_shared>> -> memref<30720xf32, #tpu.memory_space<vmem_shared>>
      tpu.wait_indirect_dma semaphore(%arg8 : memref<!tpu.dma_semaphore, #tpu.memory_space<semaphore_mem>>) src(%arg5 : memref<128xf32, #tpu.memory_space<vmem>>) dst(%dma_wait3A_125 : memref<30720xf32, #tpu.memory_space<vmem_shared>>)
      %dma_wait3A_126 = arith.constant 0 : i32
      %dma_wait3A_127 = arith.constant 0 : i32
      %dma_wait3A_128 = tpu.memref_slice %arg4[%dma_wait3A_126, %dma_wait3A_127] : memref<480x128xi32, #tpu.memory_space<vmem>> -> memref<1x128xi32, #tpu.memory_space<vmem>>
      %dma_wait3A_129 = tpu.memref_squeeze %dma_wait3A_128 : memref<1x128xi32, #tpu.memory_space<vmem>> -> memref<128xi32, #tpu.memory_space<vmem>>
      %dma_wait3A_130 = arith.constant 0 : i32
      %dma_wait3A_131 = tpu.memref_slice %arg7[%dma_wait3A_130] : memref<30720xf32, #tpu.memory_space<vmem_shared>> -> memref<30720xf32, #tpu.memory_space<vmem_shared>>
      tpu.wait_indirect_dma semaphore(%arg8 : memref<!tpu.dma_semaphore, #tpu.memory_space<semaphore_mem>>) src(%arg5 : memref<128xf32, #tpu.memory_space<vmem>>) dst(%dma_wait3A_131 : memref<30720xf32, #tpu.memory_space<vmem_shared>>)
      %dma_wait3A_132 = arith.constant 0 : i32
      %dma_wait3A_133 = arith.constant 0 : i32
      %dma_wait3A_134 = tpu.memref_slice %arg4[%dma_wait3A_132, %dma_wait3A_133] : memref<480x128xi32, #tpu.memory_space<vmem>> -> memref<1x128xi32, #tpu.memory_space<vmem>>
      %dma_wait3A_135 = tpu.memref_squeeze %dma_wait3A_134 : memref<1x128xi32, #tpu.memory_space<vmem>> -> memref<128xi32, #tpu.memory_space<vmem>>
      %dma_wait3A_136 = arith.constant 0 : i32
      %dma_wait3A_137 = tpu.memref_slice %arg7[%dma_wait3A_136] : memref<30720xf32, #tpu.memory_space<vmem_shared>> -> memref<30720xf32, #tpu.memory_space<vmem_shared>>
      tpu.wait_indirect_dma semaphore(%arg8 : memref<!tpu.dma_semaphore, #tpu.memory_space<semaphore_mem>>) src(%arg5 : memref<128xf32, #tpu.memory_space<vmem>>) dst(%dma_wait3A_137 : memref<30720xf32, #tpu.memory_space<vmem_shared>>)
      %dma_wait3A_138 = arith.constant 0 : i32
      %dma_wait3A_139 = arith.constant 0 : i32
      %dma_wait3A_140 = tpu.memref_slice %arg4[%dma_wait3A_138, %dma_wait3A_139] : memref<480x128xi32, #tpu.memory_space<vmem>> -> memref<1x128xi32, #tpu.memory_space<vmem>>
      %dma_wait3A_141 = tpu.memref_squeeze %dma_wait3A_140 : memref<1x128xi32, #tpu.memory_space<vmem>> -> memref<128xi32, #tpu.memory_space<vmem>>
      %dma_wait3A_142 = arith.constant 0 : i32
      %dma_wait3A_143 = tpu.memref_slice %arg7[%dma_wait3A_142] : memref<30720xf32, #tpu.memory_space<vmem_shared>> -> memref<30720xf32, #tpu.memory_space<vmem_shared>>
      tpu.wait_indirect_dma semaphore(%arg8 : memref<!tpu.dma_semaphore, #tpu.memory_space<semaphore_mem>>) src(%arg5 : memref<128xf32, #tpu.memory_space<vmem>>) dst(%dma_wait3A_143 : memref<30720xf32, #tpu.memory_space<vmem_shared>>)
      %dma_wait3A_144 = arith.constant 0 : i32
      %dma_wait3A_145 = arith.constant 0 : i32
      %dma_wait3A_146 = tpu.memref_slice %arg4[%dma_wait3A_144, %dma_wait3A_145] : memref<480x128xi32, #tpu.memory_space<vmem>> -> memref<1x128xi32, #tpu.memory_space<vmem>>
      %dma_wait3A_147 = tpu.memref_squeeze %dma_wait3A_146 : memref<1x128xi32, #tpu.memory_space<vmem>> -> memref<128xi32, #tpu.memory_space<vmem>>
      %dma_wait3A_148 = arith.constant 0 : i32
      %dma_wait3A_149 = tpu.memref_slice %arg7[%dma_wait3A_148] : memref<30720xf32, #tpu.memory_space<vmem_shared>> -> memref<30720xf32, #tpu.memory_space<vmem_shared>>
      tpu.wait_indirect_dma semaphore(%arg8 : memref<!tpu.dma_semaphore, #tpu.memory_space<semaphore_mem>>) src(%arg5 : memref<128xf32, #tpu.memory_space<vmem>>) dst(%dma_wait3A_149 : memref<30720xf32, #tpu.memory_space<vmem_shared>>)
      %dma_wait3A_150 = arith.constant 0 : i32
      %dma_wait3A_151 = arith.constant 0 : i32
      %dma_wait3A_152 = tpu.memref_slice %arg4[%dma_wait3A_150, %dma_wait3A_151] : memref<480x128xi32, #tpu.memory_space<vmem>> -> memref<1x128xi32, #tpu.memory_space<vmem>>
      %dma_wait3A_153 = tpu.memref_squeeze %dma_wait3A_152 : memref<1x128xi32, #tpu.memory_space<vmem>> -> memref<128xi32, #tpu.memory_space<vmem>>
      %dma_wait3A_154 = arith.constant 0 : i32
      %dma_wait3A_155 = tpu.memref_slice %arg7[%dma_wait3A_154] : memref<30720xf32, #tpu.memory_space<vmem_shared>> -> memref<30720xf32, #tpu.memory_space<vmem_shared>>
      tpu.wait_indirect_dma semaphore(%arg8 : memref<!tpu.dma_semaphore, #tpu.memory_space<semaphore_mem>>) src(%arg5 : memref<128xf32, #tpu.memory_space<vmem>>) dst(%dma_wait3A_155 : memref<30720xf32, #tpu.memory_space<vmem_shared>>)
    }
    %scan3A_61 = arith.constant 80 : i32
    %barrier3A_62 = arith.constant 0 : index
    tpu.barrier barrier_id(%barrier3A_62)
    %mul3A_63 = arith.constant 1920 : i32
    %mul3A_64 = arith.muli %arg1, %mul3A_63 : i32
    %mul3A_65 = arith.constant 1920 : i32
    %mul3A_66 = arith.muli %arg1, %mul3A_65 : i32
    "tpu.region"() ({
      %run_scoped3A_67 = tpu.sem_alloc : memref<!tpu.dma_semaphore, #tpu.memory_space<semaphore_mem>>
      %dma_start3A = tpu.memref_slice %arg3[%arg0, %mul3A_66] : memref<2x30720xf32, #tpu.memory_space<hbm>> -> memref<1x1920xf32, #tpu.memory_space<hbm>>
      %dma_start3A_68 = tpu.memref_squeeze %dma_start3A : memref<1x1920xf32, #tpu.memory_space<hbm>> -> memref<1920xf32, #tpu.memory_space<hbm>>
      %dma_start3A_69 = tpu.memref_slice %arg7[%mul3A_64] : memref<30720xf32, #tpu.memory_space<vmem_shared>> -> memref<1920xf32, #tpu.memory_space<vmem_shared>>
      tpu.enqueue_dma source(%dma_start3A_69 : memref<1920xf32, #tpu.memory_space<vmem_shared>>) target(%dma_start3A_68 : memref<1920xf32, #tpu.memory_space<hbm>>) target_semaphore(%run_scoped3A_67 : memref<!tpu.dma_semaphore, #tpu.memory_space<semaphore_mem>>)
      %dma_wait3A = tpu.memref_slice %arg3[%arg0, %mul3A_66] : memref<2x30720xf32, #tpu.memory_space<hbm>> -> memref<1x1920xf32, #tpu.memory_space<hbm>>
      %dma_wait3A_70 = tpu.memref_squeeze %dma_wait3A : memref<1x1920xf32, #tpu.memory_space<hbm>> -> memref<1920xf32, #tpu.memory_space<hbm>>
      %dma_wait3A_71 = tpu.memref_slice %arg7[%mul3A_64] : memref<30720xf32, #tpu.memory_space<vmem_shared>> -> memref<1920xf32, #tpu.memory_space<vmem_shared>>
      tpu.wait_dma2 semaphore(%run_scoped3A_67 : memref<!tpu.dma_semaphore, #tpu.memory_space<semaphore_mem>>) src(%dma_wait3A_71 : memref<1920xf32, #tpu.memory_space<vmem_shared>>) dst(%dma_wait3A_70 : memref<1920xf32, #tpu.memory_space<hbm>>)
      tpu.yield
    }) : () -> ()
    return
  }
}

</mosaic_0001>

<sc_bundles>
// kernel: _sc_degrees.3.cloned.1.call-start
scs
__scs_entry_jumppad:
0x0: {  	(pc) =	sbr.rel $0x88, $3  }
0x1: {  	(tag) =	ssettag $0x0;
	lr =	simm.s32 $0x1  }
0x2: {  	[smem:$0x3FA0] =	sst lr;
	_ =	strace $0xD0000000  }
0x3: {  	_ = 	snop  }
0x4: {  	_ = 	snop  }
0x5: {  	_ = 	snop  }
0x6: {  	_ = 	snop  }
0x7: {  	_ = 	snop  }
__scs_overlays_trampoline_lowered:
0x8: {  	[smem:$0x3FAF] =	sst s0  }
0x9: {  	[smem:$0x3FB0] =	sst s1  }
0xa: {  	[smem:$0x3FB1] =	sst s2  }
0xb: {  	[smem:$0x3FB2] =	sst s3  }
0xc: {  	[smem:$0x3FB3] =	sst s4  }
0xd: {  	[smem:$0x3FB4] =	sst s5  }
0xe: {  	[smem:$0x3FB5] =	sst s6  }
0xf: {  	[smem:$0x3FB6] =	sst s7  }
0x10: {  	[smem:$0x3FB7] =	sst s8  }
0x11: {  	[smem:$0x3FB8] =	sst s9;
	s0 =	simm.s32 @!p0 $0x0  }
0x12: {  	s1 =	sld [smem:$0x3F9E];
	s0 =	simm.s32 @p0 $0x1  }
0x13: {  	[smem:$0x3FB9] =	sst s0;
	s0 =	simm.s32 @!p1 $0x0  }
0x14: {  	s2 =	sld [smem:$0x3F9D];
	s0 =	simm.s32 @p1 $0x1  }
0x15: {  	[smem:$0x3FBA] =	sst s0;
	s0 =	simm.s32 @!p2 $0x0  }
0x16: {  	s3 =	sld [smem:$0x3FDB];
	s0 =	simm.s32 @p2 $0x1  }
0x17: {  	s4 =	simm.s32 $0x1BF5;
	[smem:$0x3FBC] =	sst s0  }
0x18: {  	s0 =	sld [smem:$0x3F9F];
	_ =	swait.ge [sflag:s4], $0x0  }
0x19: {  	s7 =	sld [smem:$0x3FA0]  }
0x1a: {  	s8 =	sadd.s32 $0xFFFFE003, lr  }
0x1b: {  	s9 =	sadd.s32 $0xFFFFFEF7, lr;
	s5 =	simm.s32 $0xFFFFFFFF;
	p2 =	slt.u32 s8, $0xFFFFF086  }
0x1c: {  	p1 =	slt.u32 s9, $0xF7A;
	s5 =	simm.s32 @!p2 $0x0  }
0x1d: {  	s5 =	simm.s32 @p1 $0x1;
	p0 =	seq.s32 s7, s2  }
0x1e: {  	s7 =	smul.u32 @!p0 $0xF7A, s2;
	p2 =	seq.s32 @!p0 s5, $0x0  }
0x1f: {  	s9 =	smul.u32 $0xF7A, s1;
	s8 =	simm.s32 @!p0 $0x1BF5;
	p2 =	por !p2, p0  }
0x20: {  	[sflag:s8] =	ssyncset.s32 @!p0 $0xFFFFF086;
	s6 =	sadd.s32 @!p0 s3, s7;
	s7 =	simm.s32 @!p0 $0x108  }
0x21: {  	s3 =	sadd.s32 s3, s9;
	s6 =	sadd.s32 @!p0 $0x88, s6;
	s7 =	simm.s32 @p2 $0x1082  }
0x22: {  	[simem:s7], [sflag:s8] =	dma.local @!p0 [hbm:s6], $0xF7A  }
0x23: {  	s9 =	sor.u32 $0xD0000000, s2;
	s6 =	simm.s32 $0x108;
	_ =	swait.ge @!p0 [sflag:s8], $0x0  }
0x24: {  	s3 =	sadd.s32 $0x88, s3;
	s6 =	simm.s32 @!p1 $0x1082;
	[sflag:s4] =	ssyncset.s32 $0xFFFFF086  }
0x25: {  	[simem:s6], [sflag:s4] =	dma.local [hbm:s3], $0xF7A  }
0x26: {  	[smem:$0x3FA0] =	sst s1;
	(tag) =	ssettag s2;
	_ =	strace s9  }
0x27: {  	s1 =	sld [smem:$0x3FB0]  }
0x28: {  	s2 =	sld [smem:$0x3FB1]  }
0x29: {  	s4 =	sld [smem:$0x3FB3]  }
0x2a: {  	p0 =	seq.s32 s5, $0x0;
	s5 =	sld [smem:$0x3FB4]  }
0x2b: {  	s6 =	sld [smem:$0x3FB5]  }
0x2c: {  	s7 =	sld [smem:$0x3FB6]  }
0x2d: {  	s3 =	simm.s32 $0x108;
	s8 =	sld [smem:$0x3FB7]  }
0x2e: {  	s3 =	simm.s32 @!p0 $0x1082;
	s9 =	sld [smem:$0x3FB8]  }
0x2f: {  	lr =	sadd.s32 s0, s3;
	s0 =	sld [smem:$0x3FAF]  }
0x30: {  	s3 =	sld [smem:$0x3FB2]  }
0x31: {  	[smem:$0x3FBB] =	sst s10  }
0x32: {  	s10 =	sld [smem:$0x3FB9];
	_ =	sdelay $0x3  }
0x33: {  	p0 =	seq.s32 s10, $0x1;
	s10 =	sld [smem:$0x3FBB];
	_ =	sdelay $0x3  }
0x34: {  	[smem:$0x3FBB] =	sst s10  }
0x35: {  	s10 =	sld [smem:$0x3FBA];
	_ =	sdelay $0x3  }
0x36: {  	p1 =	seq.s32 s10, $0x1;
	s10 =	sld [smem:$0x3FBB];
	_ =	sdelay $0x3  }
0x37: {  	[smem:$0x3FBB] =	sst s10  }
0x38: {  	s10 =	sld [smem:$0x3FBC]  }
0x39: {  	_ = 	snop;
	(pc) =	sbr.ind lr, $3  }
0x3a: {  	_ = 	snop  }
0x3b: {  	_ = 	snop  }
0x3c: {  	p2 =	seq.s32 s10, $0x1;
	s10 =	sld [smem:$0x3FBB]  }
0x3d: {  	_ =	shalt  }
0x3e: {  	_ =	shalt  }
0x3f: {  	_ =	shalt  }
0x40: {  	_ =	shalt  }
0x41: {  	_ =	shalt  }
0x42: {  	_ =	shalt  }
0x43: {  	_ =	shalt  }
0x44: {  	_ =	shalt  }
0x45: {  	_ =	shalt  }
0x46: {  	_ =	shalt  }
0x47: {  	_ =	shalt  }
0x48: {  	_ =	shalt  }
0x49: {  	_ =	shalt  }
0x4a: {  	_ =	shalt  }
0x4b: {  	_ =	shalt  }
0x4c: {  	_ =	shalt  }
0x4d: {  	_ =	shalt  }
0x4e: {  	_ =	shalt  }
0x4f: {  	_ =	shalt  }
0x50: {  	_ =	shalt  }
0x51: {  	_ =	shalt  }
0x52: {  	_ =	shalt  }
0x53: {  	_ =	shalt  }
0x54: {  	_ =	shalt  }
0x55: {  	_ =	shalt  }
0x56: {  	_ =	shalt  }
0x57: {  	_ =	shalt  }
0x58: {  	_ =	shalt  }
0x59: {  	_ =	shalt  }
0x5a: {  	_ =	shalt  }
0x5b: {  	_ =	shalt  }
0x5c: {  	_ =	shalt  }
0x5d: {  	_ =	shalt  }
0x5e: {  	_ =	shalt  }
0x5f: {  	_ =	shalt  }
0x60: {  	_ =	shalt  }
0x61: {  	_ =	shalt  }
0x62: {  	_ =	shalt  }
0x63: {  	_ =	shalt  }
0x64: {  	_ =	shalt  }
0x65: {  	_ =	shalt  }
0x66: {  	_ =	shalt  }
0x67: {  	_ =	shalt  }
0x68: {  	_ =	shalt  }
0x69: {  	_ =	shalt  }
0x6a: {  	_ =	shalt  }
0x6b: {  	_ =	shalt  }
0x6c: {  	_ =	shalt  }
0x6d: {  	_ =	shalt  }
0x6e: {  	_ =	shalt  }
0x6f: {  	_ =	shalt  }
0x70: {  	_ =	shalt  }
0x71: {  	_ =	shalt  }
0x72: {  	_ =	shalt  }
0x73: {  	_ =	shalt  }
0x74: {  	_ =	shalt  }
0x75: {  	_ =	shalt  }
0x76: {  	_ =	shalt  }
0x77: {  	_ =	shalt  }
0x78: {  	_ =	shalt  }
0x79: {  	_ =	shalt  }
0x7a: {  	_ =	shalt  }
0x7b: {  	_ =	shalt  }
0x7c: {  	_ =	shalt  }
0x7d: {  	_ =	shalt  }
0x7e: {  	_ =	shalt  }
0x7f: {  	_ =	shalt  }
0x80: {  	_ =	shalt  }
0x81: {  	_ =	shalt  }
0x82: {  	_ =	shalt  }
0x83: {  	_ =	shalt  }
0x84: {  	_ =	shalt  }
0x85: {  	_ =	shalt  }
0x86: {  	_ =	shalt  }
0x87: {  	_ =	shalt  }
.Lfunc_end0:
.L_simem_size_0:
called_computation_lowered:
.L_overlay_start_0:
0x88: {  	s2 =	sld [smem:$0x3FD9]  }
0x89: {  	s3 =	sld [smem:$0x3FFE];
	_ =	sdelay $0x1  }
0x8a: {  	s1 =	srdreg.scid  }
0x8b: {  	s0 =	sand.u32 $0x1, s1  }
0x8c: {  	s18 =	sshll.u32 s0, $0xA;
	s2 =	sadd.s32 s3, s2  }
0x8d: {  	s2 =	sadd.s32 s2, s18  }
0x8e: {  	[smem:$0x3FC7] =	sst s2  }
0x8f: {  	_ = 	snop  }
0x90: {  	s2 =	sld [smem:$0x3FC9]  }
0x91: {  	s19 =	sld [smem:$0x3FD0];
	(tm) =	ssettm $0x1  }
0x92: {  	s4 =	sld [smem:$0x3FFB];
	_ =	sdelay $0x3  }
0x93: {  	_ =	strace s4  }
0x94: {  	s4 =	sld [smem:$0x3FFC];
	_ =	sdelay $0x3  }
0x95: {  	_ =	strace s4  }
0x96: {  	s4 =	sld [smem:$0x3FFD];
	_ =	sdelay $0x3  }
0x97: {  	_ =	strace s4  }
0x98: {  	_ =	strace $0x8FFFFFFF  }
0x99: {  	s20 =	sld [smem:$0x3FDB];
	_ =	sdelay $0x1  }
0x9a: {  	s5 =	simm.s32 $_scs_section_size  }
0x9b: {  	s6 =	simm.s32 $_size__tile_overlayer_lowered;
	s7 =	simm.s32 $_tile_overlayer_lowered  }
0x9c: {  	s23 =	simm.s32 $0x1BFF;
	s22 =	sshll.u32 s7, $0x1;
	s4 =	sadd.s32 s5, s20  }
0x9d: {  	s8 =	simm.s32 $0x0;
	s21 =	sshll.u32 s6, $0x1;
	s6 =	sadd.s32 s22, s4  }
0x9e: {  	[timem:s8], [sflag:s23] =	dma.local [hbm:s6], s21  }
0x9f: {  	_ =	swait.ge [sflag:s23], s21  }
0xa0: {  	s5 =	ssub.s32 $0x0, s21;
	[sflag:s23] =	ssyncset.done $0x0  }
0xa1: {  	[sflag:s23] =	ssyncadd.s32 s5;
	_ =	sdelay $0x1  }
0xa2: {  	s24 =	simm.s32 $0x1B8B  }
0xa3: {  	_ =	swait.ge [sflag:s24], $0x1  }
0xa4: {  	[sflag:s24] =	ssyncset.done $0x0  }
0xa5: {  	s25 =	simm.s32 $0x1B8E;
	[sflag:s24] =	ssyncadd.s32 $0xFFFFFFFF  }
0xa6: {  	s26 =	simm.s32 $execute0_lowered;
	[smem:$0x3FD2] =	sst s25  }
0xa7: {  	s5 =	sshll.u32 s26, $0x1;
	_ =	strace $0x80000046;
	[dreg:$0x1] =	wrdreg $0xFFFFFFFF  }
0xa8: {  	s28 =	simm.s32 $_size_execute0_lowered;
	s4 =	sadd.s32 s4, s5;
	[dreg:$0x0] =	wrdreg $0x0  }
0xa9: {  	s5 =	sshll.u32 s28, $0x1;
	[dreg:$0x2] =	wrdreg s4  }
0xaa: {  	[dreg:$0x3] =	wrdreg s5  }
0xab: {  	[dreg:$0x4] =	wrdreg $0xC0  }
0xac: {  	_ =	task [dreg:s8], $0x5FFFF  }
0xad: {  	[dreg:$0x1] =	wrdreg $0xFFFFFFFF  }
0xae: {  	[dreg:$0x0] =	wrdreg $0x60  }
0xaf: {  	[dreg:$0x2] =	wrdreg s2  }
0xb0: {  	[dreg:$0x3] =	wrdreg s19  }
0xb1: {  	[dreg:$0x4] =	wrdreg $0xF8000  }
0xb2: {  	[dreg:$0x5] =	wrdreg $0x9  }
0xb3: {  	_ =	task.clear_ibuf [dreg:s8], $0x6FFFF;
	_ =	strace $0x90000046  }
0xb4: {  	s29 =	simm.s32 $0x9;
	_ =	strace $0x80000048  }
0xb5: {  	_ =	swait.ge [sflag:s29], $0x1  }
0xb6: {  	[sflag:s29] =	ssyncadd.s32 $0xFFFFFFFF  }
0xb7: {  	_ =	strace $0x90000048  }
0xb8: {  	_ =	sfence  }
0xb9: {  	s30 =	sld [smem:$0x0];
	_ =	sdelay $0x2  }
0xba: {  	s31 =	sshll.u32 s1, $0xD;
	s1 =	sshrl.u32 s1, $0x2  }
0xbb: {  	s3 =	sand.u32 $0x4000, s31;
	s1 =	sadd.s32 s1, s30  }
0xbc: {  	s0 =	sor.u32 s3, s0;
	s1 =	sshll.u32 s1, $0x11  }
0xbd: {  	s0 =	sor.u32 s1, s0  }
0xbe: {  	s0 =	sadd.s32 $0x8F2B, s0  }
0xbf: {  	[sflag:s0] =	ssyncadd.remote.s32 $0x1  }
0xc0: {  	_ =	sfence.sel $0xFFFF  }
0xc1: {  	[dreg:$0x0] =	wrdreg $0xFFFFFFFF;
	(pc) =	sbr.abs _section_cstart, $3  }
0xc2: {  	[dreg:$0x1] =	wrdreg $0xFFFFFFFF  }
0xc3: {  	_ =	task.clear_ibuf [dreg:s8], $0x2FFFF;
	_ =	strace $0x9FFFFFFF  }
0xc4: {  	(tm) =	ssettm $0x7FFFFFFF  }
0xc5: {  	_ =	shalt  }
tec
execute0_lowered:
.L_overlay_start_1:
0x0: {  	(tag) =	ssettag $0x1  }
0x1: {  	s4 =	rddreg [dreg:$0x0]  }
0x2: {  	s0 =	srdreg.scid;
	s8 =	rddreg [dreg:$0x1]  }
0x3: {  	s2 =	rddreg [dreg:$0x2];
	s1 =	stileid.u32  }
0x4: {  	s3 =	simm.s32 $0x0;
	s12 =	simm.s32 $0xA000;
	s13 =	simm.s32 $0xF080  }
0x5: {  	s14 =	simm.s32 $0x80;
	s15 =	simm.s32 $0xF000;
	s16 =	simm.s32 $0x1  }
0x6: {  	s19 =	simm.s32 $0x20;
	s5 =	sand.u32 $0x1, s0;
	s0 =	rddreg [dreg:$0x3]  }
0x7: {  	s20 =	simm.s32 $0x10;
	[smem:$0x7FF] =	sst s3;
	s10 =	smul.u32 $0xF00, s1  }
0x8: {  	s11 =	smul.u32 $0x1E00, s1;
	s17 =	sshll.u32 s1, $0x6;
	s6 =	sshll.u32 s5, $0x4  }
0x9: {  	_ =	strace $0x80000047;
	s7 =	ssub.s32 $0x2, s5;
	s28 =	sshll.u32 s5, $0x7  }
0xa: {  	s17 =	sor.u32 $0x1C02, s17;
	s6 =	sor.u32 s1, s6;
	s9 =	sshrl.u32 s7, $0x1  }
0xb: {  	s29 =	sor.u32 s28, s10;
	s30 =	sshrl.u32 s11, $0x2;
	s6 =	smul.u32 $0x5000, s6  }
0xc: {  	s10 =	simm.s32 $0x2;
	s11 =	simm.s32 $0x5000;
	s9 =	ssub.s32 s7, s9  }
0xd: {  	s31 =	sshrl.u32 s29, $0x3;
	s7 =	sadd.s32 s30, s2;
	s6 =	sshrl.u32 s6, $0x3  }
0xe: {  	s8 =	sadd.s32 s8, s31;
	s9 =	smax.u32 s9, $0x1;
	s4 =	sadd.s32 s4, s6  }
0xf: {  	v0 =	vimm.f32 $1.000000000e+00;
	v1 =	vimm.f32 $0.0e+00;
	s18 =	sshrl.u32 s7, $0x3;
	s5 =	sadd.s32 $0x14000, s4;
	s6 =	sadd.s32 $0x28000, s4  }
.LBB2_1:
0x10: {  	[tilespmem:$0xF000] =	vst v0  }
0x11: {  	[tilespmem:$0xF010] =	vst v0  }
0x12: {  	[tilespmem:$0xF020] =	vst v0  }
0x13: {  	[tilespmem:$0xF030] =	vst v0  }
0x14: {  	[tilespmem:$0xF040] =	vst v0  }
0x15: {  	[tilespmem:$0xF050] =	vst v0  }
0x16: {  	[tilespmem:$0xF060] =	vst v0  }
0x17: {  	[tilespmem:$0xF070] =	vst v0;
	s21 =	simm.s32 $0x40;
	s22 =	simm.s32 $0x0  }
.LBB2_2:
0x18: {  	p0 =	sne.s32 s21, $0x1DC0;
	[tilespmem:s22+$0xF080] =	vst v1;
	s22 =	smov.u32 s21;
	s21 =	sadd.s32 $0x40, s21  }
.Ltmp0:
0x19: {  	(pc) =	sbr.rel @p0 .LBB2_2-.Ltmp0, $2  }
0x1a: {  	_ =	sdelay $0x2  }
0x1b: {  	s22 =	sshra.s32 s22, $0x2  }
0x1c: {  	[tilespmem:s22+$0xF080] =	vst v1;
	s21 =	simm.s32 $0x0  }
0x1d: {  	[tilespmem:s21], [sflag:$0x2] =	stream.linear.gather [hbm4b:s4+s21], $0x5000, $0x38;
	[tilespmem:$0xFF80] =	vst v63  }
0x1e: {  	_ =	swait.ge [sflag:s10], $0x5000  }
0x1f: {  	[sflag:s10] =	ssyncset.done $0x0  }
0x20: {  	[sflag:s10] =	ssyncadd.s32 $0xFFFFB000  }
0x21: {  	[tilespmem:s11], [sflag:$0x2] =	stream.linear.gather [hbm4b:s5+s21], $0x5000, $0x38;
	[tilespmem:$0xFF80] =	vst v63  }
0x22: {  	_ =	swait.ge [sflag:s10], $0x5000  }
0x23: {  	[sflag:s10] =	ssyncset.done $0x0  }
0x24: {  	[sflag:s10] =	ssyncadd.s32 $0xFFFFB000  }
0x25: {  	[tilespmem:s12], [sflag:$0x2] =	stream.linear.gather [hbm4b:s6+s21], $0x5000, $0x38;
	[tilespmem:$0xFF80] =	vst v63  }
0x26: {  	_ =	swait.ge [sflag:s10], $0x5000  }
0x27: {  	[sflag:s10] =	ssyncset.done $0x0  }
0x28: {  	[sflag:s10] =	ssyncadd.s32 $0xFFFFB000  }
0x29: {  	[spmem:s7] =	stream.linear.scatter [tilespmem:s13], [sflag:$0x2], $0x780, $0x38;
	[tilespmem:$0xFF80] =	vst v63  }
0x2a: {  	_ =	swait.ge [sflag:s10], $0x780  }
0x2b: {  	[sflag:s10] =	ssyncset.done $0x0  }
0x2c: {  	[sflag:s10] =	ssyncadd.s32 $0xFFFFF880  }
0x2d: {  	s25 =	simm.s32 $0x0;
	[bflag:$0x0] =	sbarrier.arrive $0xFFFF  }
0x2e: {  	[spmem:s2] =	stream.indirect.scatter.add.f32 [tilespmem:s15], [sflag:$0x1], $0x1, s25, s14, $0xb8;
	[tilespmem:$0xFF80] =	vst v63  }
0x2f: {  	s26 =	simm.s32 $0x80  }
0x30: {  	[spmem:s2] =	stream.indirect.scatter.add.f32 [tilespmem:s15], [sflag:$0x1], $0x1, s26, s14, $0xb8;
	[tilespmem:$0xFF80] =	vst v63  }
0x31: {  	s28 =	simm.s32 $0x100  }
0x32: {  	[spmem:s2] =	stream.indirect.scatter.add.f32 [tilespmem:s15], [sflag:$0x1], $0x1, s28, s14, $0xb8;
	[tilespmem:$0xFF80] =	vst v63  }
0x33: {  	s29 =	simm.s32 $0x180  }
0x34: {  	[spmem:s2] =	stream.indirect.scatter.add.f32 [tilespmem:s15], [sflag:$0x1], $0x1, s29, s14, $0xb8;
	[tilespmem:$0xFF80] =	vst v63  }
0x35: {  	s30 =	simm.s32 $0x200  }
0x36: {  	[spmem:s2] =	stream.indirect.scatter.add.f32 [tilespmem:s15], [sflag:$0x1], $0x1, s30, s14, $0xb8;
	[tilespmem:$0xFF80] =	vst v63  }
0x37: {  	s31 =	simm.s32 $0x280  }
0x38: {  	[spmem:s2] =	stream.indirect.scatter.add.f32 [tilespmem:s15], [sflag:$0x1], $0x1, s31, s14, $0xb8;
	[tilespmem:$0xFF80] =	vst v63  }
0x39: {  	_ =	swait.ge [sflag:s16], $0x80  }
0x3a: {  	[sflag:s16] =	ssyncset.done $0x0  }
0x3b: {  	[sflag:s16] =	ssyncadd.s32 $0xFFFFFF80  }
0x3c: {  	_ =	swait.ge [sflag:s16], $0x80  }
0x3d: {  	[sflag:s16] =	ssyncset.done $0x0  }
0x3e: {  	[sflag:s16] =	ssyncadd.s32 $0xFFFFFF80  }
0x3f: {  	_ =	swait.ge [sflag:s16], $0x80  }
0x40: {  	[sflag:s16] =	ssyncset.done $0x0  }
0x41: {  	[sflag:s16] =	ssyncadd.s32 $0xFFFFFF80  }
0x42: {  	_ =	swait.ge [sflag:s16], $0x80  }
0x43: {  	[sflag:s16] =	ssyncset.done $0x0  }
0x44: {  	[sflag:s16] =	ssyncadd.s32 $0xFFFFFF80  }
0x45: {  	_ =	swait.ge [sflag:s16], $0x80  }
0x46: {  	[sflag:s16] =	ssyncset.done $0x0  }
0x47: {  	[sflag:s16] =	ssyncadd.s32 $0xFFFFFF80  }
0x48: {  	_ =	swait.ge [sflag:s16], $0x80  }
0x49: {  	s22 =	simm.s32 $0x1800;
	s21 =	simm.s32 $0xC00;
	[sflag:s16] =	ssyncset.done $0x0  }
.LBB2_4:
0x4a: {  	s23 =	sshra.s32 s21, $0x2  }
0x4b: {  	[sflag:s16] =	ssyncadd.s32 $0xFFFFFF80;
	s21 =	smov.u32 s22;
	s24 =	sadd.s32 $0xC00, s22  }
0x4c: {  	[spmem:s2] =	stream.indirect.scatter.add.f32 [tilespmem:s15], [sflag:$0x1], $0x1, s23, s14, $0xb8;
	[tilespmem:$0xFF80] =	vst v63  }
0x4d: {  	p0 =	sne.s32 s22, $0x3B400;
	s22 =	sadd.s32 $0x80, s23  }
0x4e: {  	[spmem:s2] =	stream.indirect.scatter.add.f32 [tilespmem:s15], [sflag:$0x1], $0x1, s22, s14, $0xb8;
	[tilespmem:$0xFF80] =	vst v63  }
0x4f: {  	s22 =	sadd.s32 $0x100, s23  }
0x50: {  	[spmem:s2] =	stream.indirect.scatter.add.f32 [tilespmem:s15], [sflag:$0x1], $0x1, s22, s14, $0xb8;
	[tilespmem:$0xFF80] =	vst v63  }
0x51: {  	s22 =	sadd.s32 $0x180, s23  }
0x52: {  	[spmem:s2] =	stream.indirect.scatter.add.f32 [tilespmem:s15], [sflag:$0x1], $0x1, s22, s14, $0xb8;
	[tilespmem:$0xFF80] =	vst v63  }
0x53: {  	s22 =	sadd.s32 $0x200, s23  }
0x54: {  	[spmem:s2] =	stream.indirect.scatter.add.f32 [tilespmem:s15], [sflag:$0x1], $0x1, s22, s14, $0xb8;
	[tilespmem:$0xFF80] =	vst v63  }
0x55: {  	s22 =	sadd.s32 $0x280, s23  }
0x56: {  	[spmem:s2] =	stream.indirect.scatter.add.f32 [tilespmem:s15], [sflag:$0x1], $0x1, s22, s14, $0xb8;
	[tilespmem:$0xFF80] =	vst v63  }
0x57: {  	_ =	swait.ge [sflag:s16], $0x80  }
0x58: {  	[sflag:s16] =	ssyncset.done $0x0  }
0x59: {  	[sflag:s16] =	ssyncadd.s32 $0xFFFFFF80  }
0x5a: {  	_ =	swait.ge [sflag:s16], $0x80  }
0x5b: {  	[sflag:s16] =	ssyncset.done $0x0  }
0x5c: {  	[sflag:s16] =	ssyncadd.s32 $0xFFFFFF80  }
0x5d: {  	_ =	swait.ge [sflag:s16], $0x80  }
0x5e: {  	[sflag:s16] =	ssyncset.done $0x0  }
0x5f: {  	[sflag:s16] =	ssyncadd.s32 $0xFFFFFF80  }
0x60: {  	_ =	swait.ge [sflag:s16], $0x80  }
0x61: {  	[sflag:s16] =	ssyncset.done $0x0  }
0x62: {  	[sflag:s16] =	ssyncadd.s32 $0xFFFFFF80  }
.Ltmp1:
0x63: {  	_ =	swait.ge [sflag:s16], $0x80;
	(pc) =	sbr.rel @p0 .LBB2_4-.Ltmp1, $4  }
0x64: {  	[sflag:s16] =	ssyncset.done $0x0  }
0x65: {  	[sflag:s16] =	ssyncadd.s32 $0xFFFFFF80  }
0x66: {  	_ =	swait.ge [sflag:s16], $0x80  }
0x67: {  	s22 =	smov.u32 s24;
	[sflag:s16] =	ssyncset.done $0x0  }
0x68: {  	s21 =	sshra.s32 s21, $0x2;
	[sflag:s16] =	ssyncadd.s32 $0xFFFFFF80  }
0x69: {  	[spmem:s2] =	stream.indirect.scatter.add.f32 [tilespmem:s15], [sflag:$0x1], $0x1, s21, s14, $0xb8;
	[tilespmem:$0xFF80] =	vst v63  }
0x6a: {  	s22 =	sadd.s32 $0x80, s21  }
0x6b: {  	[spmem:s2] =	stream.indirect.scatter.add.f32 [tilespmem:s15], [sflag:$0x1], $0x1, s22, s14, $0xb8;
	[tilespmem:$0xFF80] =	vst v63  }
0x6c: {  	s29 =	sadd.s32 $0x100, s21  }
0x6d: {  	[spmem:s2] =	stream.indirect.scatter.add.f32 [tilespmem:s15], [sflag:$0x1], $0x1, s29, s14, $0xb8;
	[tilespmem:$0xFF80] =	vst v63  }
0x6e: {  	s30 =	sadd.s32 $0x180, s21  }
0x6f: {  	[spmem:s2] =	stream.indirect.scatter.add.f32 [tilespmem:s15], [sflag:$0x1], $0x1, s30, s14, $0xb8;
	[tilespmem:$0xFF80] =	vst v63  }
0x70: {  	s31 =	sadd.s32 $0x200, s21  }
0x71: {  	[spmem:s2] =	stream.indirect.scatter.add.f32 [tilespmem:s15], [sflag:$0x1], $0x1, s31, s14, $0xb8;
	[tilespmem:$0xFF80] =	vst v63  }
0x72: {  	s21 =	sadd.s32 $0x280, s21  }
0x73: {  	[spmem:s2] =	stream.indirect.scatter.add.f32 [tilespmem:s15], [sflag:$0x1], $0x1, s21, s14, $0xb8;
	[tilespmem:$0xFF80] =	vst v63  }
0x74: {  	_ =	swait.ge [sflag:s16], $0x80  }
0x75: {  	[sflag:s16] =	ssyncset.done $0x0  }
0x76: {  	[sflag:s16] =	ssyncadd.s32 $0xFFFFFF80  }
0x77: {  	_ =	swait.ge [sflag:s16], $0x80  }
0x78: {  	[sflag:s16] =	ssyncset.done $0x0  }
0x79: {  	[sflag:s16] =	ssyncadd.s32 $0xFFFFFF80  }
0x7a: {  	_ =	swait.ge [sflag:s16], $0x80  }
0x7b: {  	[sflag:s16] =	ssyncset.done $0x0  }
0x7c: {  	[sflag:s16] =	ssyncadd.s32 $0xFFFFFF80  }
0x7d: {  	_ =	swait.ge [sflag:s16], $0x80  }
0x7e: {  	[sflag:s16] =	ssyncset.done $0x0  }
0x7f: {  	[sflag:s16] =	ssyncadd.s32 $0xFFFFFF80  }
0x80: {  	_ =	swait.ge [sflag:s16], $0x80  }
0x81: {  	[sflag:s16] =	ssyncset.done $0x0  }
0x82: {  	[sflag:s16] =	ssyncadd.s32 $0xFFFFFF80  }
0x83: {  	_ =	swait.ge [sflag:s16], $0x80  }
0x84: {  	s3 =	sadd.s32 $0x1, s3;
	[sflag:s16] =	ssyncset.done $0x0  }
0x85: {  	p0 =	sne.s32 s3, s9;
	[sflag:s16] =	ssyncadd.s32 $0xFFFFFF80  }
.Ltmp2:
0x86: {  	[bflag:$0x0] =	sbarrier.arrive $0xFFFF;
	(pc) =	sbr.rel @p0 .LBB2_1-.Ltmp2, $4  }
0x87: {  	[hbm:s8@s19], [sflag:s17] =	dma.strided [spmem:s18@s20], $0xF0, s16, $0x10   }
0x88: {  	_ =	swait.ge [sflag:s10], $0xF0  }
0x89: {  	[sflag:s10] =	ssyncset.done $0x0  }
0x8a: {  	[sflag:s10] =	ssyncadd.s32 $0xFFFFFF10  }
0x8b: {  	_ =	sfence.sel $0x180000  }
0x8c: {  	[bflag:$0x0] =	sbarrier.arrive $0xFFFF  }
0x8d: {  	p0 =	sne.s32 s1, $0x0;
	_ =	strace $0x90000047  }
0x8e: {  	s0 =	sadd.s32 @!p0 $0x100000, s0;
	[bflag:$0x2] =	sbarrier.arrive $0xFFFF  }
0x8f: {  	[sflag:s0] =	ssyncadd.tile.s32 @!p0 $0x1;
	_ =	shalt  }
.Lfunc_end2:
_tile_overlayer_lowered:
.L_overlay_start_2:
0x90: {  	(tag) =	ssettag $0x2  }
0x91: {  	s0 =	rddreg [dreg:$0x0];
	s2 =	stileid.u32  }
0x92: {  	s1 =	rddreg [dreg:$0x1];
	p0 =	sne.s32 s2, $0x0  }
0x93: {  	s3 =	rddreg [dreg:$0x2];
	[bflag:$0x3] =	sbarrier.arrive $0xFFFF;
	s2 =	simm.s32 @!p0 $0x1C02  }
0x94: {  	[timem:s3], [sflag:s2] =	dma.local @!p0 [hbm:s0], s1  }
0x95: {  	s0 =	simm.s32 @!p0 $0x2  }
0x96: {  	_ =	swait.ge @!p0 [sflag:s0], s1  }
0x97: {  	s1 =	ssub.s32 @!p0 $0x0, s1;
	[sflag:s0] =	ssyncset.done @!p0 $0x0  }
0x98: {  	[sflag:s0] =	ssyncadd.s32 @!p0 s1  }
0x99: {  	[bflag:$0x3] =	sbarrier.arrive $0xFFFF  }
0x9a: {  	_ =	shalt  }

</sc_bundles>
